<compile_context>
chip_gen: v7x
topology: tpu7x:2x2x1
jax: 0.10.2.dev20260603
libtpu: 0.0.44.dev20260713+nightly
codegen_flags: <defaults>
</compile_context>

<pallas_src>
import functools

import jax
import jax.numpy as jnp
from jax.experimental import pallas as pl
from jax.experimental.pallas import tpu as pltpu


def _pool_body(x_ref, o_ref):
    o_ref[0, 0, :] = jnp.sum(x_ref[...], axis=1)


def _rank_body(w_ref, sums_ref, idx_ref, *, B, C, k, HW):
    w0 = w_ref[0]
    w1 = w_ref[1]
    w2 = w_ref[2]
    pooled = sums_ref[...] / jnp.float32(HW)
    zero = jnp.zeros((B, 1), jnp.float32)
    left = jnp.concatenate([zero, pooled[:, :-1]], axis=1)
    right = jnp.concatenate([pooled[:, 1:], zero], axis=1)
    conv = w0 * left + w1 * pooled + w2 * right
    s = jax.nn.sigmoid(conv)
    ii = jax.lax.broadcasted_iota(jnp.int32, (C, C), 0)
    jj = jax.lax.broadcasted_iota(jnp.int32, (C, C), 1)
    rr = jax.lax.broadcasted_iota(jnp.int32, (C, k), 1)
    ic = jax.lax.broadcasted_iota(jnp.int32, (C, k), 0)
    for b in range(B):
        u = s[b].reshape(C, 1)
        v = s[b].reshape(1, C)
        before = (v > u) | ((v == u) & (jj < ii))
        rank = jnp.sum(before.astype(jnp.int32), axis=1, keepdims=True)
        sel = (rank == rr).astype(jnp.int32)
        idx = jnp.sum(ic * sel, axis=0)
        idx_ref[b, :] = idx + b * C


def _gather_body(idx_ref, x_ref, o_ref):
    o_ref[...] = x_ref[...]


@jax.jit
def kernel(x, conv_w):
    B, C, H, W = x.shape
    k = int(C * 0.5)
    HW = H * W
    BC = B * C
    x2 = x.reshape(BC, HW)

    RB = 16
    G = BC // RB
    sums3 = pl.pallas_call(
        _pool_body,
        grid=(G,),
        in_specs=[pl.BlockSpec((RB, HW), lambda g: (g, 0))],
        out_specs=pl.BlockSpec((1, 1, RB), lambda g: (g, 0, 0)),
        out_shape=jax.ShapeDtypeStruct((G, 1, RB), jnp.float32),
    )(x2)
    sums = sums3.reshape(B, C)

    fidx = pl.pallas_call(
        functools.partial(_rank_body, B=B, C=C, k=k, HW=HW),
        in_specs=[
            pl.BlockSpec(memory_space=pltpu.SMEM),
            pl.BlockSpec((B, C), lambda: (0, 0)),
        ],
        out_specs=pl.BlockSpec((B, k), lambda: (0, 0)),
        out_shape=jax.ShapeDtypeStruct((B, k), jnp.int32),
    )(conv_w, sums)
    fidx_flat = fidx.reshape(BC // 2)

    x3 = x.reshape(BC, 1, HW)
    out2 = pl.pallas_call(
        _gather_body,
        grid_spec=pltpu.PrefetchScalarGridSpec(
            num_scalar_prefetch=1,
            grid=(B * k,),
            in_specs=[pl.BlockSpec((1, 1, HW), lambda i, idx: (idx[i], 0, 0))],
            out_specs=pl.BlockSpec((1, 1, HW), lambda i, idx: (i, 0, 0)),
        ),
        out_shape=jax.ShapeDtypeStruct((B * k, 1, HW), jnp.float32),
    )(fidx_flat, x3)
    return out2.reshape(B, k, H, W)

# --- scband reference (transcript-rebuilt; emitter-appended) ---
"""Pipeline reference for scband-top-krank-17703855194721 (READ-ONLY COPY).

The authoritative reference and input builder live on the scoring server;
editing this copy changes nothing except your own understanding.
"""

import jax, jax.numpy as jnp
import numpy as np


def setup_inputs(seed: int = 0) -> dict:
    key = jax.random.key(seed)
    k1, k2 = jax.random.split(key)
    x = jax.random.normal(k1, (4, 384, 224, 224), dtype=jnp.float32)
    # Conv1d(1, 1, kernel_size=3, padding=1, bias=False) weight, flattened to [3]
    conv_w = jax.random.normal(k2, (3,), dtype=jnp.float32) * 0.1
    return {"x": x, "conv_w": conv_w}


def reference(x, conv_w):
    B, C, H, W = x.shape
    k = int(C * 0.5)
    # ChannelAttention (ECA): global average pool -> 1D conv over channel dim -> sigmoid
    pooled = jnp.mean(x, axis=(2, 3))  # [B, C] == AdaptiveAvgPool2d(1) squeezed
    padded = jnp.pad(pooled, ((0, 0), (1, 1)))  # padding=(k_size-1)//2 = 1
    conv = conv_w[0] * padded[:, :-2] + conv_w[1] * padded[:, 1:-1] + conv_w[2] * padded[:, 2:]
    channel_ranks = jax.nn.sigmoid(conv)  # [B, C]
    # sort descending over channel dim, keep top-k indices
    sorted_idxs = jnp.argsort(-channel_ranks, axis=1)
    sorted_k_idxs = sorted_idxs[:, :k]  # [B, k]
    # gather the top-k channels per sample (vectorized form of the python loop)
    out = jnp.take_along_axis(x, sorted_k_idxs[:, :, None, None], axis=1)  # [B, k, H, W]
    return out

if __name__ == "__main__":
    import jax
    _d = setup_inputs()
    print(jax.jit(kernel)(*tuple(_d.values())))

</pallas_src>

<mosaic_0001>
module attributes {stable_mosaic.version = 14 : i64} {
  func.func @_pool_body(%arg0: i32, %arg1: memref<16x50176xf32, #tpu.memory_space<vmem>>, %arg2: memref<1x1x16xf32, #tpu.memory_space<vmem>>) attributes {dimension_semantics = [#tpu.dimension_semantics<arbitrary>], iteration_bounds = array<i64: 96>, scalar_prefetch = 0 : i64, scratch_operands = 0 : i64, tpu.core_type = #tpu.core_type<tc>, window_params = [{transform_indices = @transform_0, window_bounds = array<i64: 16, 50176>}, {transform_indices = @transform_1, window_bounds = array<i64: 1, 1, 16>}]} {
    %get3A = arith.constant 0 : index
    %get3A_0 = arith.constant 0 : index
    %get3A_1 = vector.load %arg1[%get3A, %get3A_0] : memref<16x50176xf32, #tpu.memory_space<vmem>>, vector<16x50176xf32>
    %reduce_sum3A = arith.constant dense<0.000000e+00> : vector<16xf32>
    %reduce_sum3A_2 = vector.multi_reduction <add>, %get3A_1, %reduce_sum3A [1] : vector<16x50176xf32> to vector<16xf32>
    %swap3A = arith.constant 0 : index
    %swap3A_3 = arith.constant 0 : index
    %swap3A_4 = arith.constant 0 : index
    %swap3A_5 = vector.load %arg2[%swap3A, %swap3A_3, %swap3A_4] : memref<1x1x16xf32, #tpu.memory_space<vmem>>, vector<1x1x16xf32>
    %swap3A_6 = vector.shape_cast %swap3A_5 : vector<1x1x16xf32> to vector<16xf32>
    %swap3A_7 = vector.shape_cast %reduce_sum3A_2 : vector<16xf32> to vector<1x1x16xf32>
    tpu.vector_store %arg2[%swap3A, %swap3A_3, %swap3A_4], %swap3A_7 {strides = array<i32>} : memref<1x1x16xf32, #tpu.memory_space<vmem>>, vector<1x1x16xf32>,
    return
  }
  func.func @transform_0(%arg0: i32) -> (i32, i32) {
    %c0_i32 = arith.constant 0 : i32
    %c0_i32_0 = arith.constant 0 : i32
    return %arg0, %c0_i32 : i32, i32
  }
  func.func @transform_1(%arg0: i32) -> (i32, i32, i32) {
    %c0_i32 = arith.constant 0 : i32
    %c0_i32_0 = arith.constant 0 : i32
    %c0_i32_1 = arith.constant 0 : i32
    return %arg0, %c0_i32, %c0_i32_0 : i32, i32, i32
  }
}

module attributes {stable_mosaic.version = 14 : i64} {
  func.func @_rank_body(%arg0: memref<3xf32, #tpu.memory_space<smem>>, %arg1: memref<4x384xf32, #tpu.memory_space<vmem>>, %arg2: memref<4x192xi32, #tpu.memory_space<vmem>>) attributes {dimension_semantics = [], scalar_prefetch = 0 : i64, scratch_operands = 0 : i64, tpu.core_type = #tpu.core_type<tc>} {
    %get3A = arith.constant 0 : index
    %get3A_0 = memref.load %arg0[%get3A] : memref<3xf32, #tpu.memory_space<smem>>
    %get3A_1 = arith.constant 1 : index
    %get3A_2 = memref.load %arg0[%get3A_1] : memref<3xf32, #tpu.memory_space<smem>>
    %get3A_3 = arith.constant 2 : index
    %get3A_4 = memref.load %arg0[%get3A_3] : memref<3xf32, #tpu.memory_space<smem>>
    %get3A_5 = arith.constant 0 : index
    %get3A_6 = arith.constant 0 : index
    %get3A_7 = vector.load %arg1[%get3A_5, %get3A_6] : memref<4x384xf32, #tpu.memory_space<vmem>>, vector<4x384xf32>
    %div3A = arith.constant 5.017600e+04 : f32
    %div3A_8 = vector.broadcast %div3A : f32 to vector<4x384xf32>
    %div3A_9 = arith.divf %get3A_7, %div3A_8 : vector<4x384xf32>
    %broadcast_in_dim3A = arith.constant 0.000000e+00 : f32
    %broadcast_in_dim3A_10 = vector.broadcast %broadcast_in_dim3A : f32 to vector<4x1xf32>
    %slice3A = vector.extract_strided_slice %div3A_9 {offsets = [0, 0], sizes = [4, 383], strides = [1, 1]} : vector<4x384xf32> to vector<4x383xf32>
    %concatenate3A = tpu.concatenate %broadcast_in_dim3A_10, %slice3A in 1 : vector<4x1xf32>, vector<4x383xf32> -> vector<4x384xf32>
    %slice3A_11 = vector.extract_strided_slice %div3A_9 {offsets = [0, 1], sizes = [4, 383], strides = [1, 1]} : vector<4x384xf32> to vector<4x383xf32>
    %concatenate3A_12 = tpu.concatenate %slice3A_11, %broadcast_in_dim3A_10 in 1 : vector<4x383xf32>, vector<4x1xf32> -> vector<4x384xf32>
    %mul3A = vector.broadcast %get3A_0 : f32 to vector<4x384xf32>
    %mul3A_13 = arith.mulf %mul3A, %concatenate3A : vector<4x384xf32>
    %mul3A_14 = vector.broadcast %get3A_2 : f32 to vector<4x384xf32>
    %mul3A_15 = arith.mulf %mul3A_14, %div3A_9 : vector<4x384xf32>
    %add3A = arith.addf %mul3A_13, %mul3A_15 : vector<4x384xf32>
    %mul3A_16 = vector.broadcast %get3A_4 : f32 to vector<4x384xf32>
    %mul3A_17 = arith.mulf %mul3A_16, %concatenate3A_12 : vector<4x384xf32>
    %add3A_18 = arith.addf %add3A, %mul3A_17 : vector<4x384xf32>
    %logistic3A = arith.negf %add3A_18 : vector<4x384xf32>
    %logistic3A_19 = math.exp %logistic3A : vector<4x384xf32>
    %logistic3A_20 = arith.constant 1.000000e+00 : f32
    %logistic3A_21 = vector.broadcast %logistic3A_20 : f32 to vector<4x384xf32>
    %logistic3A_22 = arith.addf %logistic3A_21, %logistic3A_19 : vector<4x384xf32>
    %logistic3A_23 = arith.divf %logistic3A_21, %logistic3A_22 : vector<4x384xf32>
    %iota3A = tpu.iota {dimensions = array<i32: 0>} : vector<384x384xi32>
    %iota3A_24 = tpu.iota {dimensions = array<i32: 1>} : vector<384x384xi32>
    %iota3A_25 = tpu.iota {dimensions = array<i32: 1>} : vector<384x192xi32>
    %iota3A_26 = tpu.iota {dimensions = array<i32: 0>} : vector<384x192xi32>
    %slice3A_27 = vector.extract_strided_slice %logistic3A_23 {offsets = [0, 0], sizes = [1, 384], strides = [1, 1]} : vector<4x384xf32> to vector<1x384xf32>
    %squeeze3A = vector.shape_cast %slice3A_27 : vector<1x384xf32> to vector<384xf32>
    %reshape3A = vector.shape_cast %squeeze3A : vector<384xf32> to vector<384x1xf32>
    %slice3A_28 = vector.extract_strided_slice %logistic3A_23 {offsets = [0, 0], sizes = [1, 384], strides = [1, 1]} : vector<4x384xf32> to vector<1x384xf32>
    %squeeze3A_29 = vector.shape_cast %slice3A_28 : vector<1x384xf32> to vector<384xf32>
    %reshape3A_30 = vector.shape_cast %squeeze3A_29 : vector<384xf32> to vector<1x384xf32>
    %gt3A = vector.broadcast %reshape3A_30 : vector<1x384xf32> to vector<384x384xf32>
    %gt3A_31 = vector.broadcast %reshape3A : vector<384x1xf32> to vector<384x384xf32>
    %gt3A_32 = arith.cmpf ogt, %gt3A, %gt3A_31 : vector<384x384xf32>
    %eq3A = vector.broadcast %reshape3A_30 : vector<1x384xf32> to vector<384x384xf32>
    %eq3A_33 = vector.broadcast %reshape3A : vector<384x1xf32> to vector<384x384xf32>
    %eq3A_34 = arith.cmpf oeq, %eq3A, %eq3A_33 : vector<384x384xf32>
    %lt3A = arith.cmpi slt, %iota3A_24, %iota3A : vector<384x384xi32>
    %and3A = arith.andi %eq3A_34, %lt3A : vector<384x384xi1>
    %or3A = arith.ori %gt3A_32, %and3A : vector<384x384xi1>
    %convert_element_type3A = arith.extui %or3A : vector<384x384xi1> to vector<384x384xi32>
    %reduce_sum3A = arith.constant dense<0> : vector<384xi32>
    %reduce_sum3A_35 = vector.multi_reduction <add>, %convert_element_type3A, %reduce_sum3A [1] : vector<384x384xi32> to vector<384xi32>
    %broadcast_in_dim3A_36 = vector.shape_cast %reduce_sum3A_35 : vector<384xi32> to vector<384x1xi32>
    %eq3A_37 = vector.broadcast %broadcast_in_dim3A_36 : vector<384x1xi32> to vector<384x192xi32>
    %eq3A_38 = arith.cmpi eq, %eq3A_37, %iota3A_25 : vector<384x192xi32>
    %convert_element_type3A_39 = arith.extui %eq3A_38 : vector<384x192xi1> to vector<384x192xi32>
    %mul3A_40 = arith.muli %iota3A_26, %convert_element_type3A_39 : vector<384x192xi32>
    %reduce_sum3A_41 = arith.constant dense<0> : vector<192xi32>
    %reduce_sum3A_42 = vector.multi_reduction <add>, %mul3A_40, %reduce_sum3A_41 [0] : vector<384x192xi32> to vector<192xi32>
    %add3A_43 = arith.constant 0 : i32
    %add3A_44 = vector.broadcast %add3A_43 : i32 to vector<192xi32>
    %add3A_45 = arith.addi %reduce_sum3A_42, %add3A_44 : vector<192xi32>
    %swap3A = arith.constant 0 : index
    %swap3A_46 = arith.constant 0 : index
    %swap3A_47 = vector.load %arg2[%swap3A, %swap3A_46] : memref<4x192xi32, #tpu.memory_space<vmem>>, vector<1x192xi32>
    %swap3A_48 = vector.shape_cast %swap3A_47 : vector<1x192xi32> to vector<192xi32>
    %swap3A_49 = vector.shape_cast %add3A_45 : vector<192xi32> to vector<1x192xi32>
    tpu.vector_store %arg2[%swap3A, %swap3A_46], %swap3A_49 {strides = array<i32>} : memref<4x192xi32, #tpu.memory_space<vmem>>, vector<1x192xi32>,
    %slice3A_50 = vector.extract_strided_slice %logistic3A_23 {offsets = [1, 0], sizes = [1, 384], strides = [1, 1]} : vector<4x384xf32> to vector<1x384xf32>
    %squeeze3A_51 = vector.shape_cast %slice3A_50 : vector<1x384xf32> to vector<384xf32>
    %reshape3A_52 = vector.shape_cast %squeeze3A_51 : vector<384xf32> to vector<384x1xf32>
    %slice3A_53 = vector.extract_strided_slice %logistic3A_23 {offsets = [1, 0], sizes = [1, 384], strides = [1, 1]} : vector<4x384xf32> to vector<1x384xf32>
    %squeeze3A_54 = vector.shape_cast %slice3A_53 : vector<1x384xf32> to vector<384xf32>
    %reshape3A_55 = vector.shape_cast %squeeze3A_54 : vector<384xf32> to vector<1x384xf32>
    %gt3A_56 = vector.broadcast %reshape3A_55 : vector<1x384xf32> to vector<384x384xf32>
    %gt3A_57 = vector.broadcast %reshape3A_52 : vector<384x1xf32> to vector<384x384xf32>
    %gt3A_58 = arith.cmpf ogt, %gt3A_56, %gt3A_57 : vector<384x384xf32>
    %eq3A_59 = vector.broadcast %reshape3A_55 : vector<1x384xf32> to vector<384x384xf32>
    %eq3A_60 = vector.broadcast %reshape3A_52 : vector<384x1xf32> to vector<384x384xf32>
    %eq3A_61 = arith.cmpf oeq, %eq3A_59, %eq3A_60 : vector<384x384xf32>
    %lt3A_62 = arith.cmpi slt, %iota3A_24, %iota3A : vector<384x384xi32>
    %and3A_63 = arith.andi %eq3A_61, %lt3A_62 : vector<384x384xi1>
    %or3A_64 = arith.ori %gt3A_58, %and3A_63 : vector<384x384xi1>
    %convert_element_type3A_65 = arith.extui %or3A_64 : vector<384x384xi1> to vector<384x384xi32>
    %reduce_sum3A_66 = arith.constant dense<0> : vector<384xi32>
    %reduce_sum3A_67 = vector.multi_reduction <add>, %convert_element_type3A_65, %reduce_sum3A_66 [1] : vector<384x384xi32> to vector<384xi32>
    %broadcast_in_dim3A_68 = vector.shape_cast %reduce_sum3A_67 : vector<384xi32> to vector<384x1xi32>
    %eq3A_69 = vector.broadcast %broadcast_in_dim3A_68 : vector<384x1xi32> to vector<384x192xi32>
    %eq3A_70 = arith.cmpi eq, %eq3A_69, %iota3A_25 : vector<384x192xi32>
    %convert_element_type3A_71 = arith.extui %eq3A_70 : vector<384x192xi1> to vector<384x192xi32>
    %mul3A_72 = arith.muli %iota3A_26, %convert_element_type3A_71 : vector<384x192xi32>
    %reduce_sum3A_73 = arith.constant dense<0> : vector<192xi32>
    %reduce_sum3A_74 = vector.multi_reduction <add>, %mul3A_72, %reduce_sum3A_73 [0] : vector<384x192xi32> to vector<192xi32>
    %add3A_75 = arith.constant 384 : i32
    %add3A_76 = vector.broadcast %add3A_75 : i32 to vector<192xi32>
    %add3A_77 = arith.addi %reduce_sum3A_74, %add3A_76 : vector<192xi32>
    %swap3A_78 = arith.constant 1 : index
    %swap3A_79 = arith.constant 0 : index
    %swap3A_80 = vector.load %arg2[%swap3A_78, %swap3A_79] : memref<4x192xi32, #tpu.memory_space<vmem>>, vector<1x192xi32>
    %swap3A_81 = vector.shape_cast %swap3A_80 : vector<1x192xi32> to vector<192xi32>
    %swap3A_82 = vector.shape_cast %add3A_77 : vector<192xi32> to vector<1x192xi32>
    tpu.vector_store %arg2[%swap3A_78, %swap3A_79], %swap3A_82 {strides = array<i32>} : memref<4x192xi32, #tpu.memory_space<vmem>>, vector<1x192xi32>,
    %slice3A_83 = vector.extract_strided_slice %logistic3A_23 {offsets = [2, 0], sizes = [1, 384], strides = [1, 1]} : vector<4x384xf32> to vector<1x384xf32>
    %squeeze3A_84 = vector.shape_cast %slice3A_83 : vector<1x384xf32> to vector<384xf32>
    %reshape3A_85 = vector.shape_cast %squeeze3A_84 : vector<384xf32> to vector<384x1xf32>
    %slice3A_86 = vector.extract_strided_slice %logistic3A_23 {offsets = [2, 0], sizes = [1, 384], strides = [1, 1]} : vector<4x384xf32> to vector<1x384xf32>
    %squeeze3A_87 = vector.shape_cast %slice3A_86 : vector<1x384xf32> to vector<384xf32>
    %reshape3A_88 = vector.shape_cast %squeeze3A_87 : vector<384xf32> to vector<1x384xf32>
    %gt3A_89 = vector.broadcast %reshape3A_88 : vector<1x384xf32> to vector<384x384xf32>
    %gt3A_90 = vector.broadcast %reshape3A_85 : vector<384x1xf32> to vector<384x384xf32>
    %gt3A_91 = arith.cmpf ogt, %gt3A_89, %gt3A_90 : vector<384x384xf32>
    %eq3A_92 = vector.broadcast %reshape3A_88 : vector<1x384xf32> to vector<384x384xf32>
    %eq3A_93 = vector.broadcast %reshape3A_85 : vector<384x1xf32> to vector<384x384xf32>
    %eq3A_94 = arith.cmpf oeq, %eq3A_92, %eq3A_93 : vector<384x384xf32>
    %lt3A_95 = arith.cmpi slt, %iota3A_24, %iota3A : vector<384x384xi32>
    %and3A_96 = arith.andi %eq3A_94, %lt3A_95 : vector<384x384xi1>
    %or3A_97 = arith.ori %gt3A_91, %and3A_96 : vector<384x384xi1>
    %convert_element_type3A_98 = arith.extui %or3A_97 : vector<384x384xi1> to vector<384x384xi32>
    %reduce_sum3A_99 = arith.constant dense<0> : vector<384xi32>
    %reduce_sum3A_100 = vector.multi_reduction <add>, %convert_element_type3A_98, %reduce_sum3A_99 [1] : vector<384x384xi32> to vector<384xi32>
    %broadcast_in_dim3A_101 = vector.shape_cast %reduce_sum3A_100 : vector<384xi32> to vector<384x1xi32>
    %eq3A_102 = vector.broadcast %broadcast_in_dim3A_101 : vector<384x1xi32> to vector<384x192xi32>
    %eq3A_103 = arith.cmpi eq, %eq3A_102, %iota3A_25 : vector<384x192xi32>
    %convert_element_type3A_104 = arith.extui %eq3A_103 : vector<384x192xi1> to vector<384x192xi32>
    %mul3A_105 = arith.muli %iota3A_26, %convert_element_type3A_104 : vector<384x192xi32>
    %reduce_sum3A_106 = arith.constant dense<0> : vector<192xi32>
    %reduce_sum3A_107 = vector.multi_reduction <add>, %mul3A_105, %reduce_sum3A_106 [0] : vector<384x192xi32> to vector<192xi32>
    %add3A_108 = arith.constant 768 : i32
    %add3A_109 = vector.broadcast %add3A_108 : i32 to vector<192xi32>
    %add3A_110 = arith.addi %reduce_sum3A_107, %add3A_109 : vector<192xi32>
    %swap3A_111 = arith.constant 2 : index
    %swap3A_112 = arith.constant 0 : index
    %swap3A_113 = vector.load %arg2[%swap3A_111, %swap3A_112] : memref<4x192xi32, #tpu.memory_space<vmem>>, vector<1x192xi32>
    %swap3A_114 = vector.shape_cast %swap3A_113 : vector<1x192xi32> to vector<192xi32>
    %swap3A_115 = vector.shape_cast %add3A_110 : vector<192xi32> to vector<1x192xi32>
    tpu.vector_store %arg2[%swap3A_111, %swap3A_112], %swap3A_115 {strides = array<i32>} : memref<4x192xi32, #tpu.memory_space<vmem>>, vector<1x192xi32>,
    %slice3A_116 = vector.extract_strided_slice %logistic3A_23 {offsets = [3, 0], sizes = [1, 384], strides = [1, 1]} : vector<4x384xf32> to vector<1x384xf32>
    %squeeze3A_117 = vector.shape_cast %slice3A_116 : vector<1x384xf32> to vector<384xf32>
    %reshape3A_118 = vector.shape_cast %squeeze3A_117 : vector<384xf32> to vector<384x1xf32>
    %slice3A_119 = vector.extract_strided_slice %logistic3A_23 {offsets = [3, 0], sizes = [1, 384], strides = [1, 1]} : vector<4x384xf32> to vector<1x384xf32>
    %squeeze3A_120 = vector.shape_cast %slice3A_119 : vector<1x384xf32> to vector<384xf32>
    %reshape3A_121 = vector.shape_cast %squeeze3A_120 : vector<384xf32> to vector<1x384xf32>
    %gt3A_122 = vector.broadcast %reshape3A_121 : vector<1x384xf32> to vector<384x384xf32>
    %gt3A_123 = vector.broadcast %reshape3A_118 : vector<384x1xf32> to vector<384x384xf32>
    %gt3A_124 = arith.cmpf ogt, %gt3A_122, %gt3A_123 : vector<384x384xf32>
    %eq3A_125 = vector.broadcast %reshape3A_121 : vector<1x384xf32> to vector<384x384xf32>
    %eq3A_126 = vector.broadcast %reshape3A_118 : vector<384x1xf32> to vector<384x384xf32>
    %eq3A_127 = arith.cmpf oeq, %eq3A_125, %eq3A_126 : vector<384x384xf32>
    %lt3A_128 = arith.cmpi slt, %iota3A_24, %iota3A : vector<384x384xi32>
    %and3A_129 = arith.andi %eq3A_127, %lt3A_128 : vector<384x384xi1>
    %or3A_130 = arith.ori %gt3A_124, %and3A_129 : vector<384x384xi1>
    %convert_element_type3A_131 = arith.extui %or3A_130 : vector<384x384xi1> to vector<384x384xi32>
    %reduce_sum3A_132 = arith.constant dense<0> : vector<384xi32>
    %reduce_sum3A_133 = vector.multi_reduction <add>, %convert_element_type3A_131, %reduce_sum3A_132 [1] : vector<384x384xi32> to vector<384xi32>
    %broadcast_in_dim3A_134 = vector.shape_cast %reduce_sum3A_133 : vector<384xi32> to vector<384x1xi32>
    %eq3A_135 = vector.broadcast %broadcast_in_dim3A_134 : vector<384x1xi32> to vector<384x192xi32>
    %eq3A_136 = arith.cmpi eq, %eq3A_135, %iota3A_25 : vector<384x192xi32>
    %convert_element_type3A_137 = arith.extui %eq3A_136 : vector<384x192xi1> to vector<384x192xi32>
    %mul3A_138 = arith.muli %iota3A_26, %convert_element_type3A_137 : vector<384x192xi32>
    %reduce_sum3A_139 = arith.constant dense<0> : vector<192xi32>
    %reduce_sum3A_140 = vector.multi_reduction <add>, %mul3A_138, %reduce_sum3A_139 [0] : vector<384x192xi32> to vector<192xi32>
    %add3A_141 = arith.constant 1152 : i32
    %add3A_142 = vector.broadcast %add3A_141 : i32 to vector<192xi32>
    %add3A_143 = arith.addi %reduce_sum3A_140, %add3A_142 : vector<192xi32>
    %swap3A_144 = arith.constant 3 : index
    %swap3A_145 = arith.constant 0 : index
    %swap3A_146 = vector.load %arg2[%swap3A_144, %swap3A_145] : memref<4x192xi32, #tpu.memory_space<vmem>>, vector<1x192xi32>
    %swap3A_147 = vector.shape_cast %swap3A_146 : vector<1x192xi32> to vector<192xi32>
    %swap3A_148 = vector.shape_cast %add3A_143 : vector<192xi32> to vector<1x192xi32>
    tpu.vector_store %arg2[%swap3A_144, %swap3A_145], %swap3A_148 {strides = array<i32>} : memref<4x192xi32, #tpu.memory_space<vmem>>, vector<1x192xi32>,
    return
  }
}

module attributes {stable_mosaic.version = 14 : i64} {
  func.func @_gather_body(%arg0: i32, %arg1: memref<768xi32, #tpu.memory_space<smem>>, %arg2: memref<1x1x50176xf32, #tpu.memory_space<vmem>>, %arg3: memref<1x1x50176xf32, #tpu.memory_space<vmem>>) attributes {dimension_semantics = [#tpu.dimension_semantics<arbitrary>], iteration_bounds = array<i64: 768>, scalar_prefetch = 1 : i64, scratch_operands = 0 : i64, tpu.core_type = #tpu.core_type<tc>, window_params = [{transform_indices = @transform_0, window_bounds = array<i64: 1, 1, 50176>}, {transform_indices = @transform_1, window_bounds = array<i64: 1, 1, 50176>}]} {
    %get3A = arith.constant 0 : index
    %get3A_0 = arith.constant 0 : index
    %get3A_1 = arith.constant 0 : index
    %get3A_2 = vector.load %arg2[%get3A, %get3A_0, %get3A_1] : memref<1x1x50176xf32, #tpu.memory_space<vmem>>, vector<1x1x50176xf32>
    %swap3A = arith.constant 0 : index
    %swap3A_3 = arith.constant 0 : index
    %swap3A_4 = arith.constant 0 : index
    %swap3A_5 = vector.load %arg3[%swap3A, %swap3A_3, %swap3A_4] : memref<1x1x50176xf32, #tpu.memory_space<vmem>>, vector<1x1x50176xf32>
    tpu.vector_store %arg3[%swap3A, %swap3A_3, %swap3A_4], %get3A_2 {strides = array<i32>} : memref<1x1x50176xf32, #tpu.memory_space<vmem>>, vector<1x1x50176xf32>,
    return
  }
  func.func @transform_0(%arg0: i32, %arg1: memref<768xi32, #tpu.memory_space<smem>>) -> (i32, i32, i32) {
    %get3A = arith.index_cast %arg0 : i32 to index
    %get3A_0 = memref.load %arg1[%get3A] : memref<768xi32, #tpu.memory_space<smem>>
    %c0_i32 = arith.constant 0 : i32
    %c0_i32_1 = arith.constant 0 : i32
    %c0_i32_2 = arith.constant 0 : i32
    return %get3A_0, %c0_i32, %c0_i32_1 : i32, i32, i32
  }
  func.func @transform_1(%arg0: i32, %arg1: memref<768xi32, #tpu.memory_space<smem>>) -> (i32, i32, i32) {
    %c0_i32 = arith.constant 0 : i32
    %c0_i32_0 = arith.constant 0 : i32
    %c0_i32_1 = arith.constant 0 : i32
    return %arg0, %c0_i32, %c0_i32_0 : i32, i32, i32
  }
}

</mosaic_0001>

<sc_bundles>
// kernel: sparse-core-data-format-call.cloned.1.call-start
scs
called_computation_lowered:
.L_overlay_start_0:
0x0: {  	s1 =	sld [smem:$0x3FD9]  }
0x1: {  	s2 =	sld [smem:$0x3FFE];
	_ =	sdelay $0x1  }
0x2: {  	s3 =	srdreg.scid  }
0x3: {  	s0 =	sand.u32 $0x1, s3  }
0x4: {  	s17 =	sshll.u32 s0, $0xA;
	s1 =	sadd.s32 s2, s1  }
0x5: {  	s1 =	sadd.s32 s1, s17  }
0x6: {  	[smem:$0x3FC6] =	sst s1  }
0x7: {  	_ = 	snop  }
0x8: {  	(tm) =	ssettm $0x1  }
0x9: {  	s18 =	sld [smem:$0x3FFB];
	_ =	sdelay $0x3  }
0xa: {  	_ =	strace s18  }
0xb: {  	s1 =	sld [smem:$0x3FFC];
	_ =	sdelay $0x3  }
0xc: {  	_ =	strace s1  }
0xd: {  	s1 =	sld [smem:$0x3FFD];
	_ =	sdelay $0x3  }
0xe: {  	_ =	strace s1  }
0xf: {  	_ =	strace $0x8FFFFFFF  }
0x10: {  	s19 =	sld [smem:$0x3FDB];
	_ =	sdelay $0x1  }
0x11: {  	s20 =	simm.s32 $_scs_section_size  }
0x12: {  	s4 =	simm.s32 $_size__tile_overlayer_lowered;
	s5 =	simm.s32 $_tile_overlayer_lowered  }
0x13: {  	s23 =	simm.s32 $0x1BFF;
	s22 =	sshll.u32 s5, $0x1;
	s1 =	sadd.s32 s20, s19  }
0x14: {  	s6 =	simm.s32 $0x0;
	s21 =	sshll.u32 s4, $0x1;
	s4 =	sadd.s32 s22, s1  }
0x15: {  	[timem:s6], [sflag:s23] =	dma.local [hbm:s4], s21  }
0x16: {  	_ =	swait.ge [sflag:s23], s21  }
0x17: {  	s2 =	ssub.s32 $0x0, s21;
	[sflag:s23] =	ssyncset.done $0x0  }
0x18: {  	[sflag:s23] =	ssyncadd.s32 s2;
	_ =	sdelay $0x1  }
0x19: {  	s24 =	simm.s32 $0x1B8B  }
0x1a: {  	_ =	swait.ge [sflag:s24], $0x1  }
0x1b: {  	[sflag:s24] =	ssyncset.done $0x0  }
0x1c: {  	s26 =	simm.s32 $0x1B8E;
	s25 =	sld [smem:$0x3FFE];
	[sflag:s24] =	ssyncadd.s32 $0xFFFFFFFF  }
0x1d: {  	s27 =	simm.s32 $execute0_lowered;
	[smem:$0x3FD2] =	sst s26  }
0x1e: {  	s4 =	sshll.u32 s27, $0x1;
	_ =	strace $0x80000046;
	[dreg:$0x1] =	wrdreg $0xFFFFFFFF  }
0x1f: {  	s28 =	simm.s32 $_size_execute0_lowered;
	s1 =	sadd.s32 s1, s4;
	[dreg:$0x0] =	wrdreg $0x0  }
0x20: {  	s4 =	sshll.u32 s28, $0x1;
	[dreg:$0x2] =	wrdreg s1  }
0x21: {  	[dreg:$0x3] =	wrdreg s4  }
0x22: {  	[dreg:$0x4] =	wrdreg $0xC0  }
0x23: {  	_ =	task [dreg:s6], $0x5FFFF  }
0x24: {  	[dreg:$0x1] =	wrdreg $0xFFFFFFFF  }
0x25: {  	[dreg:$0x0] =	wrdreg $0x60  }
0x26: {  	[dreg:$0x2] =	wrdreg s25  }
0x27: {  	[dreg:$0x3] =	wrdreg $0x9  }
0x28: {  	_ =	task.clear_ibuf [dreg:s6], $0x4FFFF;
	_ =	strace $0x90000046  }
0x29: {  	s29 =	simm.s32 $0x9;
	_ =	strace $0x80000048  }
0x2a: {  	_ =	swait.ge [sflag:s29], $0x1  }
0x2b: {  	[sflag:s29] =	ssyncadd.s32 $0xFFFFFFFF  }
0x2c: {  	_ =	strace $0x90000048  }
0x2d: {  	_ =	sfence  }
0x2e: {  	s30 =	sld [smem:$0x0];
	_ =	sdelay $0x2  }
0x2f: {  	s31 =	sshll.u32 s3, $0xD;
	s3 =	sshrl.u32 s3, $0x2  }
0x30: {  	s2 =	sand.u32 $0x4000, s31;
	s1 =	sadd.s32 s3, s30  }
0x31: {  	s0 =	sor.u32 s2, s0;
	s1 =	sshll.u32 s1, $0x11  }
0x32: {  	s0 =	sor.u32 s1, s0  }
0x33: {  	s0 =	sadd.s32 $0x8F2B, s0  }
0x34: {  	[sflag:s0] =	ssyncadd.remote.s32 $0x1  }
0x35: {  	_ =	sfence.sel $0xFFFF  }
0x36: {  	[dreg:$0x0] =	wrdreg $0xFFFFFFFF;
	(pc) =	sbr.abs _section_cstart, $3  }
0x37: {  	[dreg:$0x1] =	wrdreg $0xFFFFFFFF  }
0x38: {  	_ =	task.clear_ibuf [dreg:s6], $0x2FFFF;
	_ =	strace $0x9FFFFFFF  }
0x39: {  	(tm) =	ssettm $0x7FFFFFFF  }
tec
execute0_lowered:
.L_overlay_start_1:
0x0: {  	(tag) =	ssettag $0x1  }
0x1: {  	s0 =	srdreg.scid  }
0x2: {  	s1 =	sshll.u32 s0, $0x4  }
0x3: {  	s4 =	simm.s32 $0x1;
	s0 =	stileid.u32;
	s1 =	sand.u32 $0x10, s1  }
0x4: {  	s7 =	simm.s32 $0x2;
	s16 =	simm.s32 $0x0;
	s1 =	sor.u32 s0, s1  }
0x5: {  	s8 =	simm.s32 $0xC00;
	s9 =	simm.s32 $0x0;
	s2 =	sshll.u32 s1, $0x2  }
0x6: {  	s15 =	simm.s32 $0x0;
	s18 =	simm.s32 $0x0;
	s1 =	ssub.s32 $0x1880, s2  }
0x7: {  	s17 =	simm.s32 $0x0;
	s10 =	simm.s32 $0x0;
	s3 =	sand.u32 $0x7C, s1  }
0x8: {  	s11 =	simm.s32 $0x0;
	s5 =	sshrl.u32 s1, $0x7;
	p0 =	sne.s32 s3, $0x0  }
.Ltmp0:
0x9: {  	s1 =	rddreg [dreg:$0x1];
	s4 =	simm.s32 @!p0 $0x0;
	(pc) =	sbr.rel .LBB1_1-.Ltmp0, $4  }
0xa: {  	s12 =	simm.s32 $0x0;
	s3 =	rddreg [dreg:$0x0];
	s5 =	sadd.s32 s4, s5  }
0xb: {  	_ =	strace $0x80000047;
	s4 =	simm.s32 $0x1;
	s5 =	smul.u32 $0x3, s5  }
0xc: {  	s14 =	simm.s32 $0x0;
	s13 =	smov.u32 s2;
	[sflag:s4] =	ssyncpa.u1 $0x0  }
0xd: {  	s6 =	sadd.s32 $0x930000, s3;
	[sflag:s7] =	ssyncpa.u1 $0x0;
	s7 =	sadd.s32 $0x1, s5  }
.LBB1_9:
0xe: {  	s19 =	sadd.s32 $0x80, s10  }
0xf: {  	s15 =	sadd.s32 $0x4, s11;
	s20 =	smov.u32 s11;
	p1 =	sgt.s32 s19, $0x17F  }
0x10: {  	s20 =	smov.u32 @p1 s15  }
0x11: {  	s21 =	smov.u32 s12;
	s15 =	sadd.s32 $0x8, s12;
	p2 =	sgt.s32 s20, $0x3  }
0x12: {  	s21 =	smov.u32 @p2 s15  }
0x13: {  	s22 =	smov.u32 s13;
	s15 =	sadd.s32 $0x80, s13;
	p3 =	sgt.s32 s21, $0x7  }
0x14: {  	p0 =	slt.u32 s14, $0x2;
	s22 =	smov.u32 @p3 s15  }
0x15: {  	s16 =	smov.u32 s10;
	s19 =	simm.s32 @p1 $0x0;
	p1 =	sgt.s32 s22, $0x187F  }
0x16: {  	s23 =	simm.s32 @!p0 $0x2;
	s22 =	smov.u32 @p1 s2;
	p1 =	sne.s32 s14, s7  }
.Ltmp1:
0x17: {  	s18 =	smov.u32 s12;
	_ =	swait.ge @!p0 [sflag:s23], $0x4000;
	(pc) =	sbr.rel @!p1 .LBB1_10-.Ltmp1, $4  }
0x18: {  	s17 =	smov.u32 s13;
	s9 =	sadd.s32 $0x4000, s9;
	[sflag:s23] =	ssyncset.done @!p0 $0x0  }
0x19: {  	s10 =	smov.u32 s19;
	s20 =	simm.s32 @p2 $0x0;
	[sflag:s23] =	ssyncadd.s32 @!p0 $0xFFFFC000  }
0x1a: {  	s21 =	simm.s32 @p3 $0x0;
	s15 =	smov.u32 s11;
	s11 =	smov.u32 s20  }
0x1b: {  	s12 =	smov.u32 s21;
	s14 =	sadd.s32 $0x1, s14;
	s13 =	smov.u32 s22  }
.LBB1_1:
0x1c: {  	p0 =	sge.u32 s14, s5  }
0x1d: {  	s19 =	sshrl.u32 @!p0 s11, $0x2  }
0x1e: {  	s20 =	sshll.u32 @!p0 s10, $0x2;
	s19 =	smul.u32 @!p0 $0x600, s19  }
0x1f: {  	s21 =	sshll.u32 @!p0 s11, $0x7;
	s20 =	sand.u32 @!p0 $0xFFFFFE00, s20  }
0x20: {  	s19 =	sadd.s32 @!p0 s19, s20;
	s20 =	sand.u32 @!p0 $0x180, s21  }
0x21: {  	s21 =	sand.u32 @!p0 $0x7F, s10;
	s19 =	sor.u32 @!p0 s20, s19  }
0x22: {  	s20 =	sor.u32 @!p0 s21, s19  }
0x23: {  	s21 =	smulhi.u32 @!p0 $0xAAAAAAAB, s20  }
0x24: {  	s19 =	smulhi.u32 @!p0 $0xAAAAAAAB, s19  }
0x25: {  	s31 =	sadd.s32 $0xFFFFFFFF, s14;
	s23 =	smul.u32 @!p0 $0x600, s13;
	s21 =	sshrl.u32 @!p0 s21, $0x8  }
0x26: {  	s22 =	sxor.u32 @!p0 $0xFFFFFFFF, s14;
	s19 =	sshrl.u32 @!p0 s19, $0x8;
	s21 =	smul.u32 @!p0 $0x180, s21  }
0x27: {  	s24 =	smul.u32 @!p0 $0xC0, s12;
	s22 =	sshll.u32 @!p0 s22, $0xE;
	s19 =	sand.u32 @!p0 $0x3, s19  }
0x28: {  	s19 =	smul.u32 @!p0 $0x30, s19;
	s20 =	ssub.s32 @!p0 s20, s21;
	s21 =	sadd.s32 @!p0 s3, s23  }
0x29: {  	s22 =	sand.u32 @!p0 $0x4000, s22;
	s21 =	sadd.s32 @!p0 s24, s21;
	s23 =	sand.u32 @!p0 $0x7, s20  }
0x2a: {  	s20 =	sshrl.u32 @!p0 s20, $0x3;
	s19 =	sadd.s32 @!p0 s19, s21;
	s21 =	sshll.u32 @!p0 s23, $0x12  }
0x2b: {  	s19 =	sadd.s32 @!p0 s20, s19;
	s20 =	sor.u32 @!p0 $0x200, s21;
	s21 =	simm.s32 @!p0 $0x600  }
0x2c: {  	[tilespmem:s22], [sflag:$0x1] =	stream.strided.gather @!p0 [hbm4b:s19+s20], $0x4000, s21, s20, $0x38;
	[tilespmem:$0x10000] =	vst v63  }
0x2d: {  	p0 =	sge.u32 s31, s5  }
.Ltmp2:
0x2e: {  	_ = 	snop;
	(pc) =	sbr.rel @p0 .LBB1_9-.Ltmp2, $1  }
0x2f: {  	_ =	sdelay $0x3  }
0x30: {  	s19 =	sand.u32 $0x4000, s9  }
0x31: {  	_ =	swait.ge [sflag:s4], $0x4000;
	s22 =	sshll.u32 s14, $0xE;
	s20 =	sor.u32 $0x8040, s19  }
0x32: {  	s21 =	sor.u32 $0x40, s19;
	[sflag:s4] =	ssyncset.done $0x0;
	s31 =	sand.u32 $0x4000, s22  }
0x33: {  	s22 =	simm.s32 $0x0;
	[sflag:s4] =	ssyncadd.s32 $0xFFFFC000;
	s19 =	sor.u32 $0x8000, s31  }
.LBB1_3:
0x34: {  	s23 =	smov.u32 s21;
	s24 =	smov.u32 s20;
	s25 =	simm.s32 $0x0  }
.LBB1_4:
0x35: {  	v0 =	vmov s23;
	_ =	sdelay $0x3  }
0x36: {  	s27 =	simm.s32 $0x0  }
0x37: {  	v6 =	vld.idx.msk [tilespmem:v0+s27+$0x30 ss:$0x1], $0xffff  }
0x38: {  	v7 =	vld.idx.msk [tilespmem:v0+s27+$0xFFFFFFC0 ss:$0x1], $0xffff  }
0x39: {  	v5 =	vld.idx.msk [tilespmem:v0+s27+$0xFFFFFFD0 ss:$0x1], $0xffff  }
0x3a: {  	v4 =	vld.idx.msk [tilespmem:v0+s27+$0xFFFFFFE0 ss:$0x1], $0xffff  }
0x3b: {  	v3 =	vld.idx.msk [tilespmem:v0+s27+$0xFFFFFFF0 ss:$0x1], $0xffff  }
0x3c: {  	v1 =	vld.idx.msk [tilespmem:v0+s27+$0x0 ss:$0x1], $0xffff  }
0x3d: {  	v2 =	vld.idx.msk [tilespmem:v0+s27+$0x10 ss:$0x1], $0xffff;
	[tilespmem:s24+$0x30] =	vst v6  }
0x3e: {  	s26 =	simm.s32 $0x80;
	s28 =	simm.s32 $0x400;
	[tilespmem:s24+$0xFFFFFFC0] =	vst v7;
	v6 =	vld.idx.msk [tilespmem:v0+s27+$0x20 ss:$0x1], $0xffff;
	s27 =	smov.u32 s24  }
.LBB1_5:
0x3f: {  	p0 =	sne.s32 s28, $0x600;
	v7 =	vld.idx.msk [tilespmem:v0+s26+$0x30 ss:$0x1], $0xffff;
	[tilespmem:s27+$0xFFFFFFD0] =	vst v5  }
0x40: {  	v8 =	vld.idx.msk [tilespmem:v0+s26+$0xFFFFFFC0 ss:$0x1], $0xffff;
	[tilespmem:s27+$0xFFFFFFE0] =	vst v4  }
0x41: {  	v5 =	vld.idx.msk [tilespmem:v0+s26+$0xFFFFFFD0 ss:$0x1], $0xffff;
	[tilespmem:s27+$0xFFFFFFF0] =	vst v3  }
.Ltmp3:
0x42: {  	v4 =	vld.idx.msk [tilespmem:v0+s26+$0xFFFFFFE0 ss:$0x1], $0xffff;
	[tilespmem:s27+$0x0] =	vst v1;
	(pc) =	sbr.rel @p0 .LBB1_5-.Ltmp3, $4  }
0x43: {  	v3 =	vld.idx.msk [tilespmem:v0+s26+$0xFFFFFFF0 ss:$0x1], $0xffff;
	[tilespmem:s27+$0x10] =	vst v2  }
0x44: {  	v1 =	vld.idx.msk [tilespmem:v0+s26+$0x0 ss:$0x1], $0xffff;
	[tilespmem:s27+$0x20] =	vst v6;
	s27 =	sadd.s32 $0x400, s27  }
0x45: {  	v2 =	vld.idx.msk [tilespmem:v0+s26+$0x10 ss:$0x1], $0xffff;
	[tilespmem:s27+$0x30] =	vst v7  }
0x46: {  	[tilespmem:s27+$0xFFFFFFC0] =	vst v8;
	v6 =	vld.idx.msk [tilespmem:v0+s26+$0x20 ss:$0x1], $0xffff;
	s26 =	sshra.s32 s28, $0x2;
	s28 =	sadd.s32 $0x200, s28  }
0x47: {  	_ =	sdelay $0x2  }
0x48: {  	[tilespmem:s27+$0xFFFFFFD0] =	vst v5  }
0x49: {  	v56 =	vld.idx.msk [tilespmem:v0+s26+$0x30 ss:$0x1], $0xffff;
	[tilespmem:s27+$0xFFFFFFE0] =	vst v4  }
0x4a: {  	v57 =	vld.idx.msk [tilespmem:v0+s26+$0xFFFFFFC0 ss:$0x1], $0xffff;
	[tilespmem:s27+$0xFFFFFFF0] =	vst v3  }
0x4b: {  	v58 =	vld.idx.msk [tilespmem:v0+s26+$0xFFFFFFD0 ss:$0x1], $0xffff;
	[tilespmem:s27+$0x0] =	vst v1  }
0x4c: {  	v59 =	vld.idx.msk [tilespmem:v0+s26+$0xFFFFFFE0 ss:$0x1], $0xffff;
	[tilespmem:s27+$0x10] =	vst v2  }
0x4d: {  	v60 =	vld.idx.msk [tilespmem:v0+s26+$0xFFFFFFF0 ss:$0x1], $0xffff;
	s31 =	sadd.s32 $0x400, s27;
	[tilespmem:s27+$0x20] =	vst v6  }
0x4e: {  	v61 =	vld.idx.msk [tilespmem:v0+s26+$0x0 ss:$0x1], $0xffff;
	[tilespmem:s31+$0x30] =	vst v56  }
0x4f: {  	v62 =	vld.idx.msk [tilespmem:v0+s26+$0x10 ss:$0x1], $0xffff;
	s25 =	sadd.s32 $0x1, s25;
	[tilespmem:s31+$0xFFFFFFC0] =	vst v57  }
0x50: {  	v63 =	vld.idx.msk [tilespmem:v0+s26+$0x20 ss:$0x1], $0xffff;
	p0 =	sne.s32 s25, $0x8;
	[tilespmem:s31+$0xFFFFFFD0] =	vst v58  }
.Ltmp4:
0x51: {  	[tilespmem:s31+$0xFFFFFFE0] =	vst v59;
	(pc) =	sbr.rel @p0 .LBB1_4-.Ltmp4, $4  }
0x52: {  	[tilespmem:s31+$0xFFFFFFF0] =	vst v60  }
0x53: {  	[tilespmem:s31+$0x0] =	vst v61  }
0x54: {  	[tilespmem:s31+$0x10] =	vst v62  }
0x55: {  	s24 =	sadd.s32 $0x80, s24;
	s23 =	sadd.s32 $0x200, s23;
	[tilespmem:s31+$0x20] =	vst v63  }
0x56: {  	s22 =	sadd.s32 $0x1, s22  }
0x57: {  	p0 =	sne.s32 s22, $0x4  }
.Ltmp5:
0x58: {  	_ = 	snop;
	(pc) =	sbr.rel @p0 .LBB1_3-.Ltmp5, $2  }
0x59: {  	_ =	sdelay $0x2  }
0x5a: {  	s20 =	sadd.s32 $0x1000, s20;
	s21 =	sadd.s32 $0x1000, s21  }
0x5b: {  	s20 =	sshrl.u32 s18, $0x3  }
0x5c: {  	s21 =	sshll.u32 s16, $0x3;
	s20 =	smul.u32 $0xC00, s20  }
0x5d: {  	s27 =	sshll.u32 s18, $0x7;
	s21 =	sand.u32 $0xFFFFFC00, s21  }
0x5e: {  	s18 =	sand.u32 $0x380, s27;
	s20 =	sadd.s32 s20, s21  }
0x5f: {  	s28 =	sand.u32 $0x7F, s16;
	s18 =	sor.u32 s18, s20  }
0x60: {  	s16 =	sor.u32 s28, s18;
	s18 =	smulhi.u32 $0xAAAAAAAB, s18  }
0x61: {  	s29 =	smulhi.u32 $0xAAAAAAAB, s16  }
0x62: {  	s17 =	smul.u32 $0x600, s17  }
0x63: {  	s15 =	smul.u32 $0x180, s15;
	s18 =	sshrl.u32 s18, $0x8;
	s20 =	sshrl.u32 s29, $0x8  }
0x64: {  	s18 =	sand.u32 $0x7, s18;
	s20 =	smul.u32 $0x180, s20  }
0x65: {  	s18 =	smul.u32 $0x30, s18  }
.Ltmp6:
0x66: {  	s17 =	sadd.s32 s6, s17;
	s16 =	ssub.s32 s16, s20;
	(pc) =	sbr.rel .LBB1_9-.Ltmp6, $4  }
0x67: {  	s15 =	sadd.s32 s15, s17;
	s30 =	sand.u32 $0x7, s16  }
0x68: {  	s15 =	sadd.s32 s18, s15;
	s16 =	sshrl.u32 s16, $0x3;
	s17 =	sshll.u32 s30, $0x12  }
0x69: {  	s15 =	sadd.s32 s16, s15;
	s31 =	sor.u32 $0x400, s17  }
0x6a: {  	[hbm4b:s15+s31] =	stream.strided.scatter [tilespmem:s19], [sflag:$0x2], $0x4000, s8, s31, $0x38;
	[tilespmem:$0x10000] =	vst v63  }
.LBB1_10:
0x6b: {  	_ =	sfence.sel $0x180000  }
0x6c: {  	s2 =	simm.s32 $0x1;
	[bflag:$0x0] =	sbarrier.arrive $0xFFFF  }
0x6d: {  	s31 =	simm.s32 $0x2;
	[sflag:s2] =	ssyncpa.u1 $0x1  }
0x6e: {  	[sflag:s31] =	ssyncpa.u1 $0x1  }
0x6f: {  	p0 =	sne.s32 s0, $0x0;
	_ =	strace $0x90000047  }
0x70: {  	s0 =	sadd.s32 @!p0 $0x100000, s1;
	[bflag:$0x2] =	sbarrier.arrive $0xFFFF  }
0x71: {  	[sflag:s0] =	ssyncadd.tile.s32 @!p0 $0x1;
	_ =	shalt  }
.Lfunc_end1:
_tile_overlayer_lowered:
.L_overlay_start_2:
0x72: {  	(tag) =	ssettag $0x2  }
0x73: {  	s0 =	rddreg [dreg:$0x0];
	s2 =	stileid.u32  }
0x74: {  	s1 =	rddreg [dreg:$0x1];
	p0 =	sne.s32 s2, $0x0  }
0x75: {  	s3 =	rddreg [dreg:$0x2];
	[bflag:$0x3] =	sbarrier.arrive $0xFFFF;
	s2 =	simm.s32 @!p0 $0x1C01  }
0x76: {  	[timem:s3], [sflag:s2] =	dma.local @!p0 [hbm:s0], s1  }
0x77: {  	s0 =	simm.s32 @!p0 $0x1  }
0x78: {  	_ =	swait.ge @!p0 [sflag:s0], s1  }
0x79: {  	s1 =	ssub.s32 @!p0 $0x0, s1;
	[sflag:s0] =	ssyncset.done @!p0 $0x0  }
0x7a: {  	[sflag:s0] =	ssyncadd.s32 @!p0 s1  }
0x7b: {  	[bflag:$0x3] =	sbarrier.arrive $0xFFFF  }
0x7c: {  	_ =	shalt  }

</sc_bundles>
